<compile_context>
chip_gen: v7x
topology: tpu7x:2x2x1
jax: 0.10.2.dev20260603
libtpu: 0.0.44.dev20260713+nightly
codegen_flags: <defaults>
</compile_context>

<pallas_src>
import functools

import jax
import jax.numpy as jnp
from jax import lax
from jax.experimental import pallas as pl
from jax.experimental.pallas import tpu as pltpu
from jax.experimental.pallas import tpu_sc as plsc

R = 128
C = 32768
NC = 2
NS = 16
NW = NC * NS
ROWS_PER_W = R // NW
L = 16
NVEC = C // L


def _gather_body(inp_hbm, idx_hbm, out_hbm, row_buf, idx_buf, out_buf):
    wid = lax.axis_index("s") * NC + lax.axis_index("c")
    for r in range(ROWS_PER_W):
        row = wid * ROWS_PER_W + r
        pltpu.sync_copy(inp_hbm.at[row], row_buf)
        pltpu.sync_copy(idx_hbm.at[row], idx_buf)

        @plsc.parallel_loop(0, NVEC, unroll=8)
        def _(i):
            iv = idx_buf[pl.ds(i * L, L)]
            out_buf[pl.ds(i * L, L)] = plsc.load_gather(row_buf, [iv])
        pltpu.sync_copy(out_buf, out_hbm.at[row])


@functools.partial(jax.jit, donate_argnums=())
def _gather(inp, idx):
    k = functools.partial(
        pl.kernel,
        mesh=plsc.VectorSubcoreMesh(core_axis_name="c", subcore_axis_name="s"),
        out_type=jax.ShapeDtypeStruct((R, C), jnp.float32),
        scratch_types=[
            pltpu.VMEM((C,), jnp.float32),
            pltpu.VMEM((C,), jnp.int32),
            pltpu.VMEM((C,), jnp.float32),
        ],
        compiler_params=pltpu.CompilerParams(needs_layout_passes=False),
    )(_gather_body)
    return k(inp, idx)


def kernel(input, index):
    return _gather(input, index.astype(jnp.int32))

# --- scband reference (transcript-rebuilt; emitter-appended) ---
"""Pipeline reference for scband-model-41652592837251 (READ-ONLY COPY).

The authoritative reference and input builder live on the scoring server;
editing this copy changes nothing except your own understanding.
"""

import jax, jax.numpy as jnp
import numpy as np


def setup_inputs(seed: int = 0) -> dict:
    key = jax.random.key(seed)
    k1, k2 = jax.random.split(key)
    inp = jax.random.normal(k1, (128, 32768), dtype=jnp.float32)
    index = jax.random.randint(k2, (128, 32768), 0, 32768, dtype=jnp.int64 if jax.config.jax_enable_x64 else jnp.int32)
    return {"input": inp, "index": index}


def reference(input, index):
    # torch.gather(input, dim=-1, index=index) == take_along_axis on last axis
    return jnp.take_along_axis(input, index, axis=-1)

if __name__ == "__main__":
    import jax
    _d = setup_inputs()
    print(jax.jit(kernel)(*tuple(_d.values())))

</pallas_src>

<mosaic_0001>
#map = affine_map<(d0, d1) -> (0, 0)>
module attributes {stable_mosaic.version = 14 : i64} {
  func.func @_gather_body(%arg0: i32, %arg1: i32, %arg2: memref<128x32768xf32, #tpu.memory_space<hbm>>, %arg3: memref<128x32768xi32, #tpu.memory_space<hbm>>, %arg4: memref<128x32768xf32, #tpu.memory_space<hbm>>, %arg5: memref<32768xf32, #tpu.memory_space<vmem>>, %arg6: memref<32768xi32, #tpu.memory_space<vmem>>, %arg7: memref<32768xf32, #tpu.memory_space<vmem>>) attributes {dimension_semantics = [#tpu.dimension_semantics<core_parallel>, #tpu.dimension_semantics<subcore_parallel>], iteration_bounds = array<i64: 2, 16>, scalar_prefetch = 0 : i64, scratch_operands = 3 : i64, tpu.core_type = #tpu.core_type<sc_vector_subcore>, window_params = [{transform_indices = #map}, {transform_indices = #map}, {transform_indices = #map}]} {
    %mul3A = arith.constant 2 : i32
    %mul3A_0 = arith.muli %arg1, %mul3A : i32
    %add3A = arith.addi %mul3A_0, %arg0 : i32
    %mul3A_1 = arith.constant 4 : i32
    %mul3A_2 = arith.muli %add3A, %mul3A_1 : i32
    %add3A_3 = arith.constant 0 : i32
    %add3A_4 = arith.addi %mul3A_2, %add3A_3 : i32
    "tpu.region"() ({
      %run_scoped3A = tpu.sem_alloc : memref<!tpu.dma_semaphore, #tpu.memory_space<semaphore_mem>>
      %dma_start3A = arith.constant 0 : i32
      %dma_start3A_28 = tpu.memref_slice %arg2[%add3A_4, %dma_start3A] : memref<128x32768xf32, #tpu.memory_space<hbm>> -> memref<1x32768xf32, #tpu.memory_space<hbm>>
      %dma_start3A_29 = tpu.memref_squeeze %dma_start3A_28 : memref<1x32768xf32, #tpu.memory_space<hbm>> -> memref<32768xf32, #tpu.memory_space<hbm>>
      %dma_start3A_30 = arith.constant 0 : i32
      %dma_start3A_31 = tpu.memref_slice %arg2[%add3A_4, %dma_start3A_30] : memref<128x32768xf32, #tpu.memory_space<hbm>> -> memref<1x32768xf32, #tpu.memory_space<hbm>>
      %dma_start3A_32 = tpu.memref_squeeze %dma_start3A_31 : memref<1x32768xf32, #tpu.memory_space<hbm>> -> memref<32768xf32, #tpu.memory_space<hbm>>
      tpu.enqueue_dma source(%dma_start3A_32 : memref<32768xf32, #tpu.memory_space<hbm>>) target(%arg5 : memref<32768xf32, #tpu.memory_space<vmem>>) target_semaphore(%run_scoped3A : memref<!tpu.dma_semaphore, #tpu.memory_space<semaphore_mem>>)
      %dma_wait3A = arith.constant 0 : i32
      %dma_wait3A_33 = tpu.memref_slice %arg2[%add3A_4, %dma_wait3A] : memref<128x32768xf32, #tpu.memory_space<hbm>> -> memref<1x32768xf32, #tpu.memory_space<hbm>>
      %dma_wait3A_34 = tpu.memref_squeeze %dma_wait3A_33 : memref<1x32768xf32, #tpu.memory_space<hbm>> -> memref<32768xf32, #tpu.memory_space<hbm>>
      %dma_wait3A_35 = arith.constant 0 : i32
      %dma_wait3A_36 = tpu.memref_slice %arg2[%add3A_4, %dma_wait3A_35] : memref<128x32768xf32, #tpu.memory_space<hbm>> -> memref<1x32768xf32, #tpu.memory_space<hbm>>
      %dma_wait3A_37 = tpu.memref_squeeze %dma_wait3A_36 : memref<1x32768xf32, #tpu.memory_space<hbm>> -> memref<32768xf32, #tpu.memory_space<hbm>>
      tpu.wait_dma2 semaphore(%run_scoped3A : memref<!tpu.dma_semaphore, #tpu.memory_space<semaphore_mem>>) src(%dma_wait3A_37 : memref<32768xf32, #tpu.memory_space<hbm>>) dst(%arg5 : memref<32768xf32, #tpu.memory_space<vmem>>)
      tpu.yield
    }) : () -> ()
    "tpu.region"() ({
      %run_scoped3A = tpu.sem_alloc : memref<!tpu.dma_semaphore, #tpu.memory_space<semaphore_mem>>
      %dma_start3A = arith.constant 0 : i32
      %dma_start3A_28 = tpu.memref_slice %arg3[%add3A_4, %dma_start3A] : memref<128x32768xi32, #tpu.memory_space<hbm>> -> memref<1x32768xi32, #tpu.memory_space<hbm>>
      %dma_start3A_29 = tpu.memref_squeeze %dma_start3A_28 : memref<1x32768xi32, #tpu.memory_space<hbm>> -> memref<32768xi32, #tpu.memory_space<hbm>>
      %dma_start3A_30 = arith.constant 0 : i32
      %dma_start3A_31 = tpu.memref_slice %arg3[%add3A_4, %dma_start3A_30] : memref<128x32768xi32, #tpu.memory_space<hbm>> -> memref<1x32768xi32, #tpu.memory_space<hbm>>
      %dma_start3A_32 = tpu.memref_squeeze %dma_start3A_31 : memref<1x32768xi32, #tpu.memory_space<hbm>> -> memref<32768xi32, #tpu.memory_space<hbm>>
      tpu.enqueue_dma source(%dma_start3A_32 : memref<32768xi32, #tpu.memory_space<hbm>>) target(%arg6 : memref<32768xi32, #tpu.memory_space<vmem>>) target_semaphore(%run_scoped3A : memref<!tpu.dma_semaphore, #tpu.memory_space<semaphore_mem>>)
      %dma_wait3A = arith.constant 0 : i32
      %dma_wait3A_33 = tpu.memref_slice %arg3[%add3A_4, %dma_wait3A] : memref<128x32768xi32, #tpu.memory_space<hbm>> -> memref<1x32768xi32, #tpu.memory_space<hbm>>
      %dma_wait3A_34 = tpu.memref_squeeze %dma_wait3A_33 : memref<1x32768xi32, #tpu.memory_space<hbm>> -> memref<32768xi32, #tpu.memory_space<hbm>>
      %dma_wait3A_35 = arith.constant 0 : i32
      %dma_wait3A_36 = tpu.memref_slice %arg3[%add3A_4, %dma_wait3A_35] : memref<128x32768xi32, #tpu.memory_space<hbm>> -> memref<1x32768xi32, #tpu.memory_space<hbm>>
      %dma_wait3A_37 = tpu.memref_squeeze %dma_wait3A_36 : memref<1x32768xi32, #tpu.memory_space<hbm>> -> memref<32768xi32, #tpu.memory_space<hbm>>
      tpu.wait_dma2 semaphore(%run_scoped3A : memref<!tpu.dma_semaphore, #tpu.memory_space<semaphore_mem>>) src(%dma_wait3A_37 : memref<32768xi32, #tpu.memory_space<hbm>>) dst(%arg6 : memref<32768xi32, #tpu.memory_space<vmem>>)
      tpu.yield
    }) : () -> ()
    %parallel_loop3A = arith.constant 0 : i32
    %parallel_loop3A_5 = arith.constant 2048 : i32
    %parallel_loop3A_6 = arith.constant 1 : i32
    scf.for %parallel_loop3A_28 = %parallel_loop3A to %parallel_loop3A_5 step %parallel_loop3A_6  : i32 {
      %parallel_loop3A_29 = arith.constant 16 : i32
      %parallel_loop3A_30 = arith.muli %parallel_loop3A_28, %parallel_loop3A_29 : i32
      %parallel_loop3A_31 = arith.index_cast %parallel_loop3A_30 : i32 to index
      %parallel_loop3A_32 = tpu.vector_load %arg6[%parallel_loop3A_31] {strides = array<i32>} : memref<32768xi32, #tpu.memory_space<vmem>>, vector<16xi32>,
      %parallel_loop3A_33 = tpu.vector_load_idx %arg5[%parallel_loop3A_32] : memref<32768xf32, #tpu.memory_space<vmem>>[vector<16xi32>], vector<16xf32>,
      %parallel_loop3A_34 = arith.constant 16 : i32
      %parallel_loop3A_35 = arith.muli %parallel_loop3A_28, %parallel_loop3A_34 : i32
      %parallel_loop3A_36 = arith.index_cast %parallel_loop3A_35 : i32 to index
      %parallel_loop3A_37 = tpu.vector_load %arg7[%parallel_loop3A_36] {strides = array<i32>} : memref<32768xf32, #tpu.memory_space<vmem>>, vector<16xf32>,
      tpu.vector_store %arg7[%parallel_loop3A_36], %parallel_loop3A_33 {strides = array<i32>} : memref<32768xf32, #tpu.memory_space<vmem>>, vector<16xf32>,
    } {sc.loop_unroll_factor = 8 : i64, sc.parallel_access}
    "tpu.region"() ({
      %run_scoped3A = tpu.sem_alloc : memref<!tpu.dma_semaphore, #tpu.memory_space<semaphore_mem>>
      %dma_start3A = arith.constant 0 : i32
      %dma_start3A_28 = tpu.memref_slice %arg4[%add3A_4, %dma_start3A] : memref<128x32768xf32, #tpu.memory_space<hbm>> -> memref<1x32768xf32, #tpu.memory_space<hbm>>
      %dma_start3A_29 = tpu.memref_squeeze %dma_start3A_28 : memref<1x32768xf32, #tpu.memory_space<hbm>> -> memref<32768xf32, #tpu.memory_space<hbm>>
      %dma_start3A_30 = arith.constant 0 : i32
      %dma_start3A_31 = tpu.memref_slice %arg4[%add3A_4, %dma_start3A_30] : memref<128x32768xf32, #tpu.memory_space<hbm>> -> memref<1x32768xf32, #tpu.memory_space<hbm>>
      %dma_start3A_32 = tpu.memref_squeeze %dma_start3A_31 : memref<1x32768xf32, #tpu.memory_space<hbm>> -> memref<32768xf32, #tpu.memory_space<hbm>>
      tpu.enqueue_dma source(%arg7 : memref<32768xf32, #tpu.memory_space<vmem>>) target(%dma_start3A_32 : memref<32768xf32, #tpu.memory_space<hbm>>) target_semaphore(%run_scoped3A : memref<!tpu.dma_semaphore, #tpu.memory_space<semaphore_mem>>)
      %dma_wait3A = arith.constant 0 : i32
      %dma_wait3A_33 = tpu.memref_slice %arg4[%add3A_4, %dma_wait3A] : memref<128x32768xf32, #tpu.memory_space<hbm>> -> memref<1x32768xf32, #tpu.memory_space<hbm>>
      %dma_wait3A_34 = tpu.memref_squeeze %dma_wait3A_33 : memref<1x32768xf32, #tpu.memory_space<hbm>> -> memref<32768xf32, #tpu.memory_space<hbm>>
      %dma_wait3A_35 = arith.constant 0 : i32
      %dma_wait3A_36 = tpu.memref_slice %arg4[%add3A_4, %dma_wait3A_35] : memref<128x32768xf32, #tpu.memory_space<hbm>> -> memref<1x32768xf32, #tpu.memory_space<hbm>>
      %dma_wait3A_37 = tpu.memref_squeeze %dma_wait3A_36 : memref<1x32768xf32, #tpu.memory_space<hbm>> -> memref<32768xf32, #tpu.memory_space<hbm>>
      tpu.wait_dma2 semaphore(%run_scoped3A : memref<!tpu.dma_semaphore, #tpu.memory_space<semaphore_mem>>) src(%arg7 : memref<32768xf32, #tpu.memory_space<vmem>>) dst(%dma_wait3A_37 : memref<32768xf32, #tpu.memory_space<hbm>>)
      tpu.yield
    }) : () -> ()
    %mul3A_7 = arith.constant 4 : i32
    %mul3A_8 = arith.muli %add3A, %mul3A_7 : i32
    %add3A_9 = arith.constant 1 : i32
    %add3A_10 = arith.addi %mul3A_8, %add3A_9 : i32
    "tpu.region"() ({
      %run_scoped3A = tpu.sem_alloc : memref<!tpu.dma_semaphore, #tpu.memory_space<semaphore_mem>>
      %dma_start3A = arith.constant 0 : i32
      %dma_start3A_28 = tpu.memref_slice %arg2[%add3A_10, %dma_start3A] : memref<128x32768xf32, #tpu.memory_space<hbm>> -> memref<1x32768xf32, #tpu.memory_space<hbm>>
      %dma_start3A_29 = tpu.memref_squeeze %dma_start3A_28 : memref<1x32768xf32, #tpu.memory_space<hbm>> -> memref<32768xf32, #tpu.memory_space<hbm>>
      %dma_start3A_30 = arith.constant 0 : i32
      %dma_start3A_31 = tpu.memref_slice %arg2[%add3A_10, %dma_start3A_30] : memref<128x32768xf32, #tpu.memory_space<hbm>> -> memref<1x32768xf32, #tpu.memory_space<hbm>>
      %dma_start3A_32 = tpu.memref_squeeze %dma_start3A_31 : memref<1x32768xf32, #tpu.memory_space<hbm>> -> memref<32768xf32, #tpu.memory_space<hbm>>
      tpu.enqueue_dma source(%dma_start3A_32 : memref<32768xf32, #tpu.memory_space<hbm>>) target(%arg5 : memref<32768xf32, #tpu.memory_space<vmem>>) target_semaphore(%run_scoped3A : memref<!tpu.dma_semaphore, #tpu.memory_space<semaphore_mem>>)
      %dma_wait3A = arith.constant 0 : i32
      %dma_wait3A_33 = tpu.memref_slice %arg2[%add3A_10, %dma_wait3A] : memref<128x32768xf32, #tpu.memory_space<hbm>> -> memref<1x32768xf32, #tpu.memory_space<hbm>>
      %dma_wait3A_34 = tpu.memref_squeeze %dma_wait3A_33 : memref<1x32768xf32, #tpu.memory_space<hbm>> -> memref<32768xf32, #tpu.memory_space<hbm>>
      %dma_wait3A_35 = arith.constant 0 : i32
      %dma_wait3A_36 = tpu.memref_slice %arg2[%add3A_10, %dma_wait3A_35] : memref<128x32768xf32, #tpu.memory_space<hbm>> -> memref<1x32768xf32, #tpu.memory_space<hbm>>
      %dma_wait3A_37 = tpu.memref_squeeze %dma_wait3A_36 : memref<1x32768xf32, #tpu.memory_space<hbm>> -> memref<32768xf32, #tpu.memory_space<hbm>>
      tpu.wait_dma2 semaphore(%run_scoped3A : memref<!tpu.dma_semaphore, #tpu.memory_space<semaphore_mem>>) src(%dma_wait3A_37 : memref<32768xf32, #tpu.memory_space<hbm>>) dst(%arg5 : memref<32768xf32, #tpu.memory_space<vmem>>)
      tpu.yield
    }) : () -> ()
    "tpu.region"() ({
      %run_scoped3A = tpu.sem_alloc : memref<!tpu.dma_semaphore, #tpu.memory_space<semaphore_mem>>
      %dma_start3A = arith.constant 0 : i32
      %dma_start3A_28 = tpu.memref_slice %arg3[%add3A_10, %dma_start3A] : memref<128x32768xi32, #tpu.memory_space<hbm>> -> memref<1x32768xi32, #tpu.memory_space<hbm>>
      %dma_start3A_29 = tpu.memref_squeeze %dma_start3A_28 : memref<1x32768xi32, #tpu.memory_space<hbm>> -> memref<32768xi32, #tpu.memory_space<hbm>>
      %dma_start3A_30 = arith.constant 0 : i32
      %dma_start3A_31 = tpu.memref_slice %arg3[%add3A_10, %dma_start3A_30] : memref<128x32768xi32, #tpu.memory_space<hbm>> -> memref<1x32768xi32, #tpu.memory_space<hbm>>
      %dma_start3A_32 = tpu.memref_squeeze %dma_start3A_31 : memref<1x32768xi32, #tpu.memory_space<hbm>> -> memref<32768xi32, #tpu.memory_space<hbm>>
      tpu.enqueue_dma source(%dma_start3A_32 : memref<32768xi32, #tpu.memory_space<hbm>>) target(%arg6 : memref<32768xi32, #tpu.memory_space<vmem>>) target_semaphore(%run_scoped3A : memref<!tpu.dma_semaphore, #tpu.memory_space<semaphore_mem>>)
      %dma_wait3A = arith.constant 0 : i32
      %dma_wait3A_33 = tpu.memref_slice %arg3[%add3A_10, %dma_wait3A] : memref<128x32768xi32, #tpu.memory_space<hbm>> -> memref<1x32768xi32, #tpu.memory_space<hbm>>
      %dma_wait3A_34 = tpu.memref_squeeze %dma_wait3A_33 : memref<1x32768xi32, #tpu.memory_space<hbm>> -> memref<32768xi32, #tpu.memory_space<hbm>>
      %dma_wait3A_35 = arith.constant 0 : i32
      %dma_wait3A_36 = tpu.memref_slice %arg3[%add3A_10, %dma_wait3A_35] : memref<128x32768xi32, #tpu.memory_space<hbm>> -> memref<1x32768xi32, #tpu.memory_space<hbm>>
      %dma_wait3A_37 = tpu.memref_squeeze %dma_wait3A_36 : memref<1x32768xi32, #tpu.memory_space<hbm>> -> memref<32768xi32, #tpu.memory_space<hbm>>
      tpu.wait_dma2 semaphore(%run_scoped3A : memref<!tpu.dma_semaphore, #tpu.memory_space<semaphore_mem>>) src(%dma_wait3A_37 : memref<32768xi32, #tpu.memory_space<hbm>>) dst(%arg6 : memref<32768xi32, #tpu.memory_space<vmem>>)
      tpu.yield
    }) : () -> ()
    %parallel_loop3A_11 = arith.constant 0 : i32
    %parallel_loop3A_12 = arith.constant 2048 : i32
    %parallel_loop3A_13 = arith.constant 1 : i32
    scf.for %parallel_loop3A_28 = %parallel_loop3A_11 to %parallel_loop3A_12 step %parallel_loop3A_13  : i32 {
      %parallel_loop3A_29 = arith.constant 16 : i32
      %parallel_loop3A_30 = arith.muli %parallel_loop3A_28, %parallel_loop3A_29 : i32
      %parallel_loop3A_31 = arith.index_cast %parallel_loop3A_30 : i32 to index
      %parallel_loop3A_32 = tpu.vector_load %arg6[%parallel_loop3A_31] {strides = array<i32>} : memref<32768xi32, #tpu.memory_space<vmem>>, vector<16xi32>,
      %parallel_loop3A_33 = tpu.vector_load_idx %arg5[%parallel_loop3A_32] : memref<32768xf32, #tpu.memory_space<vmem>>[vector<16xi32>], vector<16xf32>,
      %parallel_loop3A_34 = arith.constant 16 : i32
      %parallel_loop3A_35 = arith.muli %parallel_loop3A_28, %parallel_loop3A_34 : i32
      %parallel_loop3A_36 = arith.index_cast %parallel_loop3A_35 : i32 to index
      %parallel_loop3A_37 = tpu.vector_load %arg7[%parallel_loop3A_36] {strides = array<i32>} : memref<32768xf32, #tpu.memory_space<vmem>>, vector<16xf32>,
      tpu.vector_store %arg7[%parallel_loop3A_36], %parallel_loop3A_33 {strides = array<i32>} : memref<32768xf32, #tpu.memory_space<vmem>>, vector<16xf32>,
    } {sc.loop_unroll_factor = 8 : i64, sc.parallel_access}
    "tpu.region"() ({
      %run_scoped3A = tpu.sem_alloc : memref<!tpu.dma_semaphore, #tpu.memory_space<semaphore_mem>>
      %dma_start3A = arith.constant 0 : i32
      %dma_start3A_28 = tpu.memref_slice %arg4[%add3A_10, %dma_start3A] : memref<128x32768xf32, #tpu.memory_space<hbm>> -> memref<1x32768xf32, #tpu.memory_space<hbm>>
      %dma_start3A_29 = tpu.memref_squeeze %dma_start3A_28 : memref<1x32768xf32, #tpu.memory_space<hbm>> -> memref<32768xf32, #tpu.memory_space<hbm>>
      %dma_start3A_30 = arith.constant 0 : i32
      %dma_start3A_31 = tpu.memref_slice %arg4[%add3A_10, %dma_start3A_30] : memref<128x32768xf32, #tpu.memory_space<hbm>> -> memref<1x32768xf32, #tpu.memory_space<hbm>>
      %dma_start3A_32 = tpu.memref_squeeze %dma_start3A_31 : memref<1x32768xf32, #tpu.memory_space<hbm>> -> memref<32768xf32, #tpu.memory_space<hbm>>
      tpu.enqueue_dma source(%arg7 : memref<32768xf32, #tpu.memory_space<vmem>>) target(%dma_start3A_32 : memref<32768xf32, #tpu.memory_space<hbm>>) target_semaphore(%run_scoped3A : memref<!tpu.dma_semaphore, #tpu.memory_space<semaphore_mem>>)
      %dma_wait3A = arith.constant 0 : i32
      %dma_wait3A_33 = tpu.memref_slice %arg4[%add3A_10, %dma_wait3A] : memref<128x32768xf32, #tpu.memory_space<hbm>> -> memref<1x32768xf32, #tpu.memory_space<hbm>>
      %dma_wait3A_34 = tpu.memref_squeeze %dma_wait3A_33 : memref<1x32768xf32, #tpu.memory_space<hbm>> -> memref<32768xf32, #tpu.memory_space<hbm>>
      %dma_wait3A_35 = arith.constant 0 : i32
      %dma_wait3A_36 = tpu.memref_slice %arg4[%add3A_10, %dma_wait3A_35] : memref<128x32768xf32, #tpu.memory_space<hbm>> -> memref<1x32768xf32, #tpu.memory_space<hbm>>
      %dma_wait3A_37 = tpu.memref_squeeze %dma_wait3A_36 : memref<1x32768xf32, #tpu.memory_space<hbm>> -> memref<32768xf32, #tpu.memory_space<hbm>>
      tpu.wait_dma2 semaphore(%run_scoped3A : memref<!tpu.dma_semaphore, #tpu.memory_space<semaphore_mem>>) src(%arg7 : memref<32768xf32, #tpu.memory_space<vmem>>) dst(%dma_wait3A_37 : memref<32768xf32, #tpu.memory_space<hbm>>)
      tpu.yield
    }) : () -> ()
    %mul3A_14 = arith.constant 4 : i32
    %mul3A_15 = arith.muli %add3A, %mul3A_14 : i32
    %add3A_16 = arith.constant 2 : i32
    %add3A_17 = arith.addi %mul3A_15, %add3A_16 : i32
    "tpu.region"() ({
      %run_scoped3A = tpu.sem_alloc : memref<!tpu.dma_semaphore, #tpu.memory_space<semaphore_mem>>
      %dma_start3A = arith.constant 0 : i32
      %dma_start3A_28 = tpu.memref_slice %arg2[%add3A_17, %dma_start3A] : memref<128x32768xf32, #tpu.memory_space<hbm>> -> memref<1x32768xf32, #tpu.memory_space<hbm>>
      %dma_start3A_29 = tpu.memref_squeeze %dma_start3A_28 : memref<1x32768xf32, #tpu.memory_space<hbm>> -> memref<32768xf32, #tpu.memory_space<hbm>>
      %dma_start3A_30 = arith.constant 0 : i32
      %dma_start3A_31 = tpu.memref_slice %arg2[%add3A_17, %dma_start3A_30] : memref<128x32768xf32, #tpu.memory_space<hbm>> -> memref<1x32768xf32, #tpu.memory_space<hbm>>
      %dma_start3A_32 = tpu.memref_squeeze %dma_start3A_31 : memref<1x32768xf32, #tpu.memory_space<hbm>> -> memref<32768xf32, #tpu.memory_space<hbm>>
      tpu.enqueue_dma source(%dma_start3A_32 : memref<32768xf32, #tpu.memory_space<hbm>>) target(%arg5 : memref<32768xf32, #tpu.memory_space<vmem>>) target_semaphore(%run_scoped3A : memref<!tpu.dma_semaphore, #tpu.memory_space<semaphore_mem>>)
      %dma_wait3A = arith.constant 0 : i32
      %dma_wait3A_33 = tpu.memref_slice %arg2[%add3A_17, %dma_wait3A] : memref<128x32768xf32, #tpu.memory_space<hbm>> -> memref<1x32768xf32, #tpu.memory_space<hbm>>
      %dma_wait3A_34 = tpu.memref_squeeze %dma_wait3A_33 : memref<1x32768xf32, #tpu.memory_space<hbm>> -> memref<32768xf32, #tpu.memory_space<hbm>>
      %dma_wait3A_35 = arith.constant 0 : i32
      %dma_wait3A_36 = tpu.memref_slice %arg2[%add3A_17, %dma_wait3A_35] : memref<128x32768xf32, #tpu.memory_space<hbm>> -> memref<1x32768xf32, #tpu.memory_space<hbm>>
      %dma_wait3A_37 = tpu.memref_squeeze %dma_wait3A_36 : memref<1x32768xf32, #tpu.memory_space<hbm>> -> memref<32768xf32, #tpu.memory_space<hbm>>
      tpu.wait_dma2 semaphore(%run_scoped3A : memref<!tpu.dma_semaphore, #tpu.memory_space<semaphore_mem>>) src(%dma_wait3A_37 : memref<32768xf32, #tpu.memory_space<hbm>>) dst(%arg5 : memref<32768xf32, #tpu.memory_space<vmem>>)
      tpu.yield
    }) : () -> ()
    "tpu.region"() ({
      %run_scoped3A = tpu.sem_alloc : memref<!tpu.dma_semaphore, #tpu.memory_space<semaphore_mem>>
      %dma_start3A = arith.constant 0 : i32
      %dma_start3A_28 = tpu.memref_slice %arg3[%add3A_17, %dma_start3A] : memref<128x32768xi32, #tpu.memory_space<hbm>> -> memref<1x32768xi32, #tpu.memory_space<hbm>>
      %dma_start3A_29 = tpu.memref_squeeze %dma_start3A_28 : memref<1x32768xi32, #tpu.memory_space<hbm>> -> memref<32768xi32, #tpu.memory_space<hbm>>
      %dma_start3A_30 = arith.constant 0 : i32
      %dma_start3A_31 = tpu.memref_slice %arg3[%add3A_17, %dma_start3A_30] : memref<128x32768xi32, #tpu.memory_space<hbm>> -> memref<1x32768xi32, #tpu.memory_space<hbm>>
      %dma_start3A_32 = tpu.memref_squeeze %dma_start3A_31 : memref<1x32768xi32, #tpu.memory_space<hbm>> -> memref<32768xi32, #tpu.memory_space<hbm>>
      tpu.enqueue_dma source(%dma_start3A_32 : memref<32768xi32, #tpu.memory_space<hbm>>) target(%arg6 : memref<32768xi32, #tpu.memory_space<vmem>>) target_semaphore(%run_scoped3A : memref<!tpu.dma_semaphore, #tpu.memory_space<semaphore_mem>>)
      %dma_wait3A = arith.constant 0 : i32
      %dma_wait3A_33 = tpu.memref_slice %arg3[%add3A_17, %dma_wait3A] : memref<128x32768xi32, #tpu.memory_space<hbm>> -> memref<1x32768xi32, #tpu.memory_space<hbm>>
      %dma_wait3A_34 = tpu.memref_squeeze %dma_wait3A_33 : memref<1x32768xi32, #tpu.memory_space<hbm>> -> memref<32768xi32, #tpu.memory_space<hbm>>
      %dma_wait3A_35 = arith.constant 0 : i32
      %dma_wait3A_36 = tpu.memref_slice %arg3[%add3A_17, %dma_wait3A_35] : memref<128x32768xi32, #tpu.memory_space<hbm>> -> memref<1x32768xi32, #tpu.memory_space<hbm>>
      %dma_wait3A_37 = tpu.memref_squeeze %dma_wait3A_36 : memref<1x32768xi32, #tpu.memory_space<hbm>> -> memref<32768xi32, #tpu.memory_space<hbm>>
      tpu.wait_dma2 semaphore(%run_scoped3A : memref<!tpu.dma_semaphore, #tpu.memory_space<semaphore_mem>>) src(%dma_wait3A_37 : memref<32768xi32, #tpu.memory_space<hbm>>) dst(%arg6 : memref<32768xi32, #tpu.memory_space<vmem>>)
      tpu.yield
    }) : () -> ()
    %parallel_loop3A_18 = arith.constant 0 : i32
    %parallel_loop3A_19 = arith.constant 2048 : i32
    %parallel_loop3A_20 = arith.constant 1 : i32
    scf.for %parallel_loop3A_28 = %parallel_loop3A_18 to %parallel_loop3A_19 step %parallel_loop3A_20  : i32 {
      %parallel_loop3A_29 = arith.constant 16 : i32
      %parallel_loop3A_30 = arith.muli %parallel_loop3A_28, %parallel_loop3A_29 : i32
      %parallel_loop3A_31 = arith.index_cast %parallel_loop3A_30 : i32 to index
      %parallel_loop3A_32 = tpu.vector_load %arg6[%parallel_loop3A_31] {strides = array<i32>} : memref<32768xi32, #tpu.memory_space<vmem>>, vector<16xi32>,
      %parallel_loop3A_33 = tpu.vector_load_idx %arg5[%parallel_loop3A_32] : memref<32768xf32, #tpu.memory_space<vmem>>[vector<16xi32>], vector<16xf32>,
      %parallel_loop3A_34 = arith.constant 16 : i32
      %parallel_loop3A_35 = arith.muli %parallel_loop3A_28, %parallel_loop3A_34 : i32
      %parallel_loop3A_36 = arith.index_cast %parallel_loop3A_35 : i32 to index
      %parallel_loop3A_37 = tpu.vector_load %arg7[%parallel_loop3A_36] {strides = array<i32>} : memref<32768xf32, #tpu.memory_space<vmem>>, vector<16xf32>,
      tpu.vector_store %arg7[%parallel_loop3A_36], %parallel_loop3A_33 {strides = array<i32>} : memref<32768xf32, #tpu.memory_space<vmem>>, vector<16xf32>,
    } {sc.loop_unroll_factor = 8 : i64, sc.parallel_access}
    "tpu.region"() ({
      %run_scoped3A = tpu.sem_alloc : memref<!tpu.dma_semaphore, #tpu.memory_space<semaphore_mem>>
      %dma_start3A = arith.constant 0 : i32
      %dma_start3A_28 = tpu.memref_slice %arg4[%add3A_17, %dma_start3A] : memref<128x32768xf32, #tpu.memory_space<hbm>> -> memref<1x32768xf32, #tpu.memory_space<hbm>>
      %dma_start3A_29 = tpu.memref_squeeze %dma_start3A_28 : memref<1x32768xf32, #tpu.memory_space<hbm>> -> memref<32768xf32, #tpu.memory_space<hbm>>
      %dma_start3A_30 = arith.constant 0 : i32
      %dma_start3A_31 = tpu.memref_slice %arg4[%add3A_17, %dma_start3A_30] : memref<128x32768xf32, #tpu.memory_space<hbm>> -> memref<1x32768xf32, #tpu.memory_space<hbm>>
      %dma_start3A_32 = tpu.memref_squeeze %dma_start3A_31 : memref<1x32768xf32, #tpu.memory_space<hbm>> -> memref<32768xf32, #tpu.memory_space<hbm>>
      tpu.enqueue_dma source(%arg7 : memref<32768xf32, #tpu.memory_space<vmem>>) target(%dma_start3A_32 : memref<32768xf32, #tpu.memory_space<hbm>>) target_semaphore(%run_scoped3A : memref<!tpu.dma_semaphore, #tpu.memory_space<semaphore_mem>>)
      %dma_wait3A = arith.constant 0 : i32
      %dma_wait3A_33 = tpu.memref_slice %arg4[%add3A_17, %dma_wait3A] : memref<128x32768xf32, #tpu.memory_space<hbm>> -> memref<1x32768xf32, #tpu.memory_space<hbm>>
      %dma_wait3A_34 = tpu.memref_squeeze %dma_wait3A_33 : memref<1x32768xf32, #tpu.memory_space<hbm>> -> memref<32768xf32, #tpu.memory_space<hbm>>
      %dma_wait3A_35 = arith.constant 0 : i32
      %dma_wait3A_36 = tpu.memref_slice %arg4[%add3A_17, %dma_wait3A_35] : memref<128x32768xf32, #tpu.memory_space<hbm>> -> memref<1x32768xf32, #tpu.memory_space<hbm>>
      %dma_wait3A_37 = tpu.memref_squeeze %dma_wait3A_36 : memref<1x32768xf32, #tpu.memory_space<hbm>> -> memref<32768xf32, #tpu.memory_space<hbm>>
      tpu.wait_dma2 semaphore(%run_scoped3A : memref<!tpu.dma_semaphore, #tpu.memory_space<semaphore_mem>>) src(%arg7 : memref<32768xf32, #tpu.memory_space<vmem>>) dst(%dma_wait3A_37 : memref<32768xf32, #tpu.memory_space<hbm>>)
      tpu.yield
    }) : () -> ()
    %mul3A_21 = arith.constant 4 : i32
    %mul3A_22 = arith.muli %add3A, %mul3A_21 : i32
    %add3A_23 = arith.constant 3 : i32
    %add3A_24 = arith.addi %mul3A_22, %add3A_23 : i32
    "tpu.region"() ({
      %run_scoped3A = tpu.sem_alloc : memref<!tpu.dma_semaphore, #tpu.memory_space<semaphore_mem>>
      %dma_start3A = arith.constant 0 : i32
      %dma_start3A_28 = tpu.memref_slice %arg2[%add3A_24, %dma_start3A] : memref<128x32768xf32, #tpu.memory_space<hbm>> -> memref<1x32768xf32, #tpu.memory_space<hbm>>
      %dma_start3A_29 = tpu.memref_squeeze %dma_start3A_28 : memref<1x32768xf32, #tpu.memory_space<hbm>> -> memref<32768xf32, #tpu.memory_space<hbm>>
      %dma_start3A_30 = arith.constant 0 : i32
      %dma_start3A_31 = tpu.memref_slice %arg2[%add3A_24, %dma_start3A_30] : memref<128x32768xf32, #tpu.memory_space<hbm>> -> memref<1x32768xf32, #tpu.memory_space<hbm>>
      %dma_start3A_32 = tpu.memref_squeeze %dma_start3A_31 : memref<1x32768xf32, #tpu.memory_space<hbm>> -> memref<32768xf32, #tpu.memory_space<hbm>>
      tpu.enqueue_dma source(%dma_start3A_32 : memref<32768xf32, #tpu.memory_space<hbm>>) target(%arg5 : memref<32768xf32, #tpu.memory_space<vmem>>) target_semaphore(%run_scoped3A : memref<!tpu.dma_semaphore, #tpu.memory_space<semaphore_mem>>)
      %dma_wait3A = arith.constant 0 : i32
      %dma_wait3A_33 = tpu.memref_slice %arg2[%add3A_24, %dma_wait3A] : memref<128x32768xf32, #tpu.memory_space<hbm>> -> memref<1x32768xf32, #tpu.memory_space<hbm>>
      %dma_wait3A_34 = tpu.memref_squeeze %dma_wait3A_33 : memref<1x32768xf32, #tpu.memory_space<hbm>> -> memref<32768xf32, #tpu.memory_space<hbm>>
      %dma_wait3A_35 = arith.constant 0 : i32
      %dma_wait3A_36 = tpu.memref_slice %arg2[%add3A_24, %dma_wait3A_35] : memref<128x32768xf32, #tpu.memory_space<hbm>> -> memref<1x32768xf32, #tpu.memory_space<hbm>>
      %dma_wait3A_37 = tpu.memref_squeeze %dma_wait3A_36 : memref<1x32768xf32, #tpu.memory_space<hbm>> -> memref<32768xf32, #tpu.memory_space<hbm>>
      tpu.wait_dma2 semaphore(%run_scoped3A : memref<!tpu.dma_semaphore, #tpu.memory_space<semaphore_mem>>) src(%dma_wait3A_37 : memref<32768xf32, #tpu.memory_space<hbm>>) dst(%arg5 : memref<32768xf32, #tpu.memory_space<vmem>>)
      tpu.yield
    }) : () -> ()
    "tpu.region"() ({
      %run_scoped3A = tpu.sem_alloc : memref<!tpu.dma_semaphore, #tpu.memory_space<semaphore_mem>>
      %dma_start3A = arith.constant 0 : i32
      %dma_start3A_28 = tpu.memref_slice %arg3[%add3A_24, %dma_start3A] : memref<128x32768xi32, #tpu.memory_space<hbm>> -> memref<1x32768xi32, #tpu.memory_space<hbm>>
      %dma_start3A_29 = tpu.memref_squeeze %dma_start3A_28 : memref<1x32768xi32, #tpu.memory_space<hbm>> -> memref<32768xi32, #tpu.memory_space<hbm>>
      %dma_start3A_30 = arith.constant 0 : i32
      %dma_start3A_31 = tpu.memref_slice %arg3[%add3A_24, %dma_start3A_30] : memref<128x32768xi32, #tpu.memory_space<hbm>> -> memref<1x32768xi32, #tpu.memory_space<hbm>>
      %dma_start3A_32 = tpu.memref_squeeze %dma_start3A_31 : memref<1x32768xi32, #tpu.memory_space<hbm>> -> memref<32768xi32, #tpu.memory_space<hbm>>
      tpu.enqueue_dma source(%dma_start3A_32 : memref<32768xi32, #tpu.memory_space<hbm>>) target(%arg6 : memref<32768xi32, #tpu.memory_space<vmem>>) target_semaphore(%run_scoped3A : memref<!tpu.dma_semaphore, #tpu.memory_space<semaphore_mem>>)
      %dma_wait3A = arith.constant 0 : i32
      %dma_wait3A_33 = tpu.memref_slice %arg3[%add3A_24, %dma_wait3A] : memref<128x32768xi32, #tpu.memory_space<hbm>> -> memref<1x32768xi32, #tpu.memory_space<hbm>>
      %dma_wait3A_34 = tpu.memref_squeeze %dma_wait3A_33 : memref<1x32768xi32, #tpu.memory_space<hbm>> -> memref<32768xi32, #tpu.memory_space<hbm>>
      %dma_wait3A_35 = arith.constant 0 : i32
      %dma_wait3A_36 = tpu.memref_slice %arg3[%add3A_24, %dma_wait3A_35] : memref<128x32768xi32, #tpu.memory_space<hbm>> -> memref<1x32768xi32, #tpu.memory_space<hbm>>
      %dma_wait3A_37 = tpu.memref_squeeze %dma_wait3A_36 : memref<1x32768xi32, #tpu.memory_space<hbm>> -> memref<32768xi32, #tpu.memory_space<hbm>>
      tpu.wait_dma2 semaphore(%run_scoped3A : memref<!tpu.dma_semaphore, #tpu.memory_space<semaphore_mem>>) src(%dma_wait3A_37 : memref<32768xi32, #tpu.memory_space<hbm>>) dst(%arg6 : memref<32768xi32, #tpu.memory_space<vmem>>)
      tpu.yield
    }) : () -> ()
    %parallel_loop3A_25 = arith.constant 0 : i32
    %parallel_loop3A_26 = arith.constant 2048 : i32
    %parallel_loop3A_27 = arith.constant 1 : i32
    scf.for %parallel_loop3A_28 = %parallel_loop3A_25 to %parallel_loop3A_26 step %parallel_loop3A_27  : i32 {
      %parallel_loop3A_29 = arith.constant 16 : i32
      %parallel_loop3A_30 = arith.muli %parallel_loop3A_28, %parallel_loop3A_29 : i32
      %parallel_loop3A_31 = arith.index_cast %parallel_loop3A_30 : i32 to index
      %parallel_loop3A_32 = tpu.vector_load %arg6[%parallel_loop3A_31] {strides = array<i32>} : memref<32768xi32, #tpu.memory_space<vmem>>, vector<16xi32>,
      %parallel_loop3A_33 = tpu.vector_load_idx %arg5[%parallel_loop3A_32] : memref<32768xf32, #tpu.memory_space<vmem>>[vector<16xi32>], vector<16xf32>,
      %parallel_loop3A_34 = arith.constant 16 : i32
      %parallel_loop3A_35 = arith.muli %parallel_loop3A_28, %parallel_loop3A_34 : i32
      %parallel_loop3A_36 = arith.index_cast %parallel_loop3A_35 : i32 to index
      %parallel_loop3A_37 = tpu.vector_load %arg7[%parallel_loop3A_36] {strides = array<i32>} : memref<32768xf32, #tpu.memory_space<vmem>>, vector<16xf32>,
      tpu.vector_store %arg7[%parallel_loop3A_36], %parallel_loop3A_33 {strides = array<i32>} : memref<32768xf32, #tpu.memory_space<vmem>>, vector<16xf32>,
    } {sc.loop_unroll_factor = 8 : i64, sc.parallel_access}
    "tpu.region"() ({
      %run_scoped3A = tpu.sem_alloc : memref<!tpu.dma_semaphore, #tpu.memory_space<semaphore_mem>>
      %dma_start3A = arith.constant 0 : i32
      %dma_start3A_28 = tpu.memref_slice %arg4[%add3A_24, %dma_start3A] : memref<128x32768xf32, #tpu.memory_space<hbm>> -> memref<1x32768xf32, #tpu.memory_space<hbm>>
      %dma_start3A_29 = tpu.memref_squeeze %dma_start3A_28 : memref<1x32768xf32, #tpu.memory_space<hbm>> -> memref<32768xf32, #tpu.memory_space<hbm>>
      %dma_start3A_30 = arith.constant 0 : i32
      %dma_start3A_31 = tpu.memref_slice %arg4[%add3A_24, %dma_start3A_30] : memref<128x32768xf32, #tpu.memory_space<hbm>> -> memref<1x32768xf32, #tpu.memory_space<hbm>>
      %dma_start3A_32 = tpu.memref_squeeze %dma_start3A_31 : memref<1x32768xf32, #tpu.memory_space<hbm>> -> memref<32768xf32, #tpu.memory_space<hbm>>
      tpu.enqueue_dma source(%arg7 : memref<32768xf32, #tpu.memory_space<vmem>>) target(%dma_start3A_32 : memref<32768xf32, #tpu.memory_space<hbm>>) target_semaphore(%run_scoped3A : memref<!tpu.dma_semaphore, #tpu.memory_space<semaphore_mem>>)
      %dma_wait3A = arith.constant 0 : i32
      %dma_wait3A_33 = tpu.memref_slice %arg4[%add3A_24, %dma_wait3A] : memref<128x32768xf32, #tpu.memory_space<hbm>> -> memref<1x32768xf32, #tpu.memory_space<hbm>>
      %dma_wait3A_34 = tpu.memref_squeeze %dma_wait3A_33 : memref<1x32768xf32, #tpu.memory_space<hbm>> -> memref<32768xf32, #tpu.memory_space<hbm>>
      %dma_wait3A_35 = arith.constant 0 : i32
      %dma_wait3A_36 = tpu.memref_slice %arg4[%add3A_24, %dma_wait3A_35] : memref<128x32768xf32, #tpu.memory_space<hbm>> -> memref<1x32768xf32, #tpu.memory_space<hbm>>
      %dma_wait3A_37 = tpu.memref_squeeze %dma_wait3A_36 : memref<1x32768xf32, #tpu.memory_space<hbm>> -> memref<32768xf32, #tpu.memory_space<hbm>>
      tpu.wait_dma2 semaphore(%run_scoped3A : memref<!tpu.dma_semaphore, #tpu.memory_space<semaphore_mem>>) src(%arg7 : memref<32768xf32, #tpu.memory_space<vmem>>) dst(%dma_wait3A_37 : memref<32768xf32, #tpu.memory_space<hbm>>)
      tpu.yield
    }) : () -> ()
    return
  }
}

</mosaic_0001>

<sc_bundles>
// kernel: _gather.3.cloned.1.call-start
scs
__scs_entry_jumppad:
0x0: {  	(pc) =	sbr.rel $0x88, $3  }
0x1: {  	(tag) =	ssettag $0x0;
	lr =	simm.s32 $0x1  }
0x2: {  	[smem:$0x3F9F] =	sst lr;
	_ =	strace $0xD0000000  }
0x3: {  	_ = 	snop  }
0x4: {  	_ = 	snop  }
0x5: {  	_ = 	snop  }
0x6: {  	_ = 	snop  }
0x7: {  	_ = 	snop  }
__scs_overlays_trampoline_lowered:
0x8: {  	[smem:$0x3FAE] =	sst s0  }
0x9: {  	[smem:$0x3FAF] =	sst s1  }
0xa: {  	[smem:$0x3FB0] =	sst s2  }
0xb: {  	[smem:$0x3FB1] =	sst s3  }
0xc: {  	[smem:$0x3FB2] =	sst s4  }
0xd: {  	[smem:$0x3FB3] =	sst s5  }
0xe: {  	[smem:$0x3FB4] =	sst s6  }
0xf: {  	[smem:$0x3FB5] =	sst s7  }
0x10: {  	[smem:$0x3FB6] =	sst s8  }
0x11: {  	[smem:$0x3FB7] =	sst s9;
	s0 =	simm.s32 @!p0 $0x0  }
0x12: {  	s1 =	sld [smem:$0x3F9D];
	s0 =	simm.s32 @p0 $0x1  }
0x13: {  	[smem:$0x3FB8] =	sst s0;
	s0 =	simm.s32 @!p1 $0x0  }
0x14: {  	s2 =	sld [smem:$0x3F9C];
	s0 =	simm.s32 @p1 $0x1  }
0x15: {  	[smem:$0x3FB9] =	sst s0;
	s0 =	simm.s32 @!p2 $0x0  }
0x16: {  	s3 =	sld [smem:$0x3FDB];
	s0 =	simm.s32 @p2 $0x1  }
0x17: {  	s4 =	simm.s32 $0x1BF5;
	[smem:$0x3FBB] =	sst s0  }
0x18: {  	s0 =	sld [smem:$0x3F9E];
	_ =	swait.ge [sflag:s4], $0x0  }
0x19: {  	s7 =	sld [smem:$0x3F9F]  }
0x1a: {  	s8 =	sadd.s32 $0xFFFFE003, lr  }
0x1b: {  	s9 =	sadd.s32 $0xFFFFFEF7, lr;
	s5 =	simm.s32 $0xFFFFFFFF;
	p2 =	slt.u32 s8, $0xFFFFF086  }
0x1c: {  	p1 =	slt.u32 s9, $0xF7A;
	s5 =	simm.s32 @!p2 $0x0  }
0x1d: {  	s5 =	simm.s32 @p1 $0x1;
	p0 =	seq.s32 s7, s2  }
0x1e: {  	s7 =	smul.u32 @!p0 $0xF7A, s2;
	p2 =	seq.s32 @!p0 s5, $0x0  }
0x1f: {  	s9 =	smul.u32 $0xF7A, s1;
	s8 =	simm.s32 @!p0 $0x1BF5;
	p2 =	por !p2, p0  }
0x20: {  	[sflag:s8] =	ssyncset.s32 @!p0 $0xFFFFF086;
	s6 =	sadd.s32 @!p0 s3, s7;
	s7 =	simm.s32 @!p0 $0x108  }
0x21: {  	s3 =	sadd.s32 s3, s9;
	s6 =	sadd.s32 @!p0 $0x88, s6;
	s7 =	simm.s32 @p2 $0x1082  }
0x22: {  	[simem:s7], [sflag:s8] =	dma.local @!p0 [hbm:s6], $0xF7A  }
0x23: {  	s9 =	sor.u32 $0xD0000000, s2;
	s6 =	simm.s32 $0x108;
	_ =	swait.ge @!p0 [sflag:s8], $0x0  }
0x24: {  	s3 =	sadd.s32 $0x88, s3;
	s6 =	simm.s32 @!p1 $0x1082;
	[sflag:s4] =	ssyncset.s32 $0xFFFFF086  }
0x25: {  	[simem:s6], [sflag:s4] =	dma.local [hbm:s3], $0xF7A  }
0x26: {  	[smem:$0x3F9F] =	sst s1;
	(tag) =	ssettag s2;
	_ =	strace s9  }
0x27: {  	s1 =	sld [smem:$0x3FAF]  }
0x28: {  	s2 =	sld [smem:$0x3FB0]  }
0x29: {  	s4 =	sld [smem:$0x3FB2]  }
0x2a: {  	p0 =	seq.s32 s5, $0x0;
	s5 =	sld [smem:$0x3FB3]  }
0x2b: {  	s6 =	sld [smem:$0x3FB4]  }
0x2c: {  	s7 =	sld [smem:$0x3FB5]  }
0x2d: {  	s3 =	simm.s32 $0x108;
	s8 =	sld [smem:$0x3FB6]  }
0x2e: {  	s3 =	simm.s32 @!p0 $0x1082;
	s9 =	sld [smem:$0x3FB7]  }
0x2f: {  	lr =	sadd.s32 s0, s3;
	s0 =	sld [smem:$0x3FAE]  }
0x30: {  	s3 =	sld [smem:$0x3FB1]  }
0x31: {  	[smem:$0x3FBA] =	sst s10  }
0x32: {  	s10 =	sld [smem:$0x3FB8];
	_ =	sdelay $0x3  }
0x33: {  	p0 =	seq.s32 s10, $0x1;
	s10 =	sld [smem:$0x3FBA];
	_ =	sdelay $0x3  }
0x34: {  	[smem:$0x3FBA] =	sst s10  }
0x35: {  	s10 =	sld [smem:$0x3FB9];
	_ =	sdelay $0x3  }
0x36: {  	p1 =	seq.s32 s10, $0x1;
	s10 =	sld [smem:$0x3FBA];
	_ =	sdelay $0x3  }
0x37: {  	[smem:$0x3FBA] =	sst s10  }
0x38: {  	s10 =	sld [smem:$0x3FBB]  }
0x39: {  	_ = 	snop;
	(pc) =	sbr.ind lr, $3  }
0x3a: {  	_ = 	snop  }
0x3b: {  	_ = 	snop  }
0x3c: {  	p2 =	seq.s32 s10, $0x1;
	s10 =	sld [smem:$0x3FBA]  }
0x3d: {  	_ =	shalt  }
0x3e: {  	_ =	shalt  }
0x3f: {  	_ =	shalt  }
0x40: {  	_ =	shalt  }
0x41: {  	_ =	shalt  }
0x42: {  	_ =	shalt  }
0x43: {  	_ =	shalt  }
0x44: {  	_ =	shalt  }
0x45: {  	_ =	shalt  }
0x46: {  	_ =	shalt  }
0x47: {  	_ =	shalt  }
0x48: {  	_ =	shalt  }
0x49: {  	_ =	shalt  }
0x4a: {  	_ =	shalt  }
0x4b: {  	_ =	shalt  }
0x4c: {  	_ =	shalt  }
0x4d: {  	_ =	shalt  }
0x4e: {  	_ =	shalt  }
0x4f: {  	_ =	shalt  }
0x50: {  	_ =	shalt  }
0x51: {  	_ =	shalt  }
0x52: {  	_ =	shalt  }
0x53: {  	_ =	shalt  }
0x54: {  	_ =	shalt  }
0x55: {  	_ =	shalt  }
0x56: {  	_ =	shalt  }
0x57: {  	_ =	shalt  }
0x58: {  	_ =	shalt  }
0x59: {  	_ =	shalt  }
0x5a: {  	_ =	shalt  }
0x5b: {  	_ =	shalt  }
0x5c: {  	_ =	shalt  }
0x5d: {  	_ =	shalt  }
0x5e: {  	_ =	shalt  }
0x5f: {  	_ =	shalt  }
0x60: {  	_ =	shalt  }
0x61: {  	_ =	shalt  }
0x62: {  	_ =	shalt  }
0x63: {  	_ =	shalt  }
0x64: {  	_ =	shalt  }
0x65: {  	_ =	shalt  }
0x66: {  	_ =	shalt  }
0x67: {  	_ =	shalt  }
0x68: {  	_ =	shalt  }
0x69: {  	_ =	shalt  }
0x6a: {  	_ =	shalt  }
0x6b: {  	_ =	shalt  }
0x6c: {  	_ =	shalt  }
0x6d: {  	_ =	shalt  }
0x6e: {  	_ =	shalt  }
0x6f: {  	_ =	shalt  }
0x70: {  	_ =	shalt  }
0x71: {  	_ =	shalt  }
0x72: {  	_ =	shalt  }
0x73: {  	_ =	shalt  }
0x74: {  	_ =	shalt  }
0x75: {  	_ =	shalt  }
0x76: {  	_ =	shalt  }
0x77: {  	_ =	shalt  }
0x78: {  	_ =	shalt  }
0x79: {  	_ =	shalt  }
0x7a: {  	_ =	shalt  }
0x7b: {  	_ =	shalt  }
0x7c: {  	_ =	shalt  }
0x7d: {  	_ =	shalt  }
0x7e: {  	_ =	shalt  }
0x7f: {  	_ =	shalt  }
0x80: {  	_ =	shalt  }
0x81: {  	_ =	shalt  }
0x82: {  	_ =	shalt  }
0x83: {  	_ =	shalt  }
0x84: {  	_ =	shalt  }
0x85: {  	_ =	shalt  }
0x86: {  	_ =	shalt  }
0x87: {  	_ =	shalt  }
.Lfunc_end0:
.L_simem_size_0:
called_computation_lowered:
.L_overlay_start_0:
0x88: {  	s2 =	sld [smem:$0x3FD9]  }
0x89: {  	s3 =	sld [smem:$0x3FFE];
	_ =	sdelay $0x1  }
0x8a: {  	s1 =	srdreg.scid  }
0x8b: {  	s0 =	sand.u32 $0x1, s1  }
0x8c: {  	s18 =	sshll.u32 s0, $0xA;
	s2 =	sadd.s32 s3, s2  }
0x8d: {  	s2 =	sadd.s32 s2, s18  }
0x8e: {  	[smem:$0x3FC6] =	sst s2  }
0x8f: {  	_ = 	snop  }
0x90: {  	s2 =	sld [smem:$0x3FC9]  }
0x91: {  	s19 =	sld [smem:$0x3FC8]  }
0x92: {  	s4 =	sld [smem:$0x3FD0];
	(tm) =	ssettm $0x1  }
0x93: {  	s5 =	sld [smem:$0x3FFB];
	_ =	sdelay $0x3  }
0x94: {  	_ =	strace s5  }
0x95: {  	s5 =	sld [smem:$0x3FFC];
	_ =	sdelay $0x3  }
0x96: {  	_ =	strace s5  }
0x97: {  	s5 =	sld [smem:$0x3FFD];
	_ =	sdelay $0x3  }
0x98: {  	_ =	strace s5  }
0x99: {  	_ =	strace $0x8FFFFFFF  }
0x9a: {  	s20 =	sld [smem:$0x3FDB];
	_ =	sdelay $0x1  }
0x9b: {  	s6 =	simm.s32 $_scs_section_size  }
0x9c: {  	s7 =	simm.s32 $_size__tile_overlayer_lowered;
	s8 =	simm.s32 $_tile_overlayer_lowered  }
0x9d: {  	s23 =	simm.s32 $0x1BFF;
	s22 =	sshll.u32 s8, $0x1;
	s5 =	sadd.s32 s6, s20  }
0x9e: {  	s9 =	simm.s32 $0x0;
	s21 =	sshll.u32 s7, $0x1;
	s7 =	sadd.s32 s22, s5  }
0x9f: {  	[timem:s9], [sflag:s23] =	dma.local [hbm:s7], s21  }
0xa0: {  	_ =	swait.ge [sflag:s23], s21  }
0xa1: {  	s6 =	ssub.s32 $0x0, s21;
	[sflag:s23] =	ssyncset.done $0x0  }
0xa2: {  	[sflag:s23] =	ssyncadd.s32 s6;
	_ =	sdelay $0x1  }
0xa3: {  	s24 =	simm.s32 $0x1B8B  }
0xa4: {  	_ =	swait.ge [sflag:s24], $0x1  }
0xa5: {  	[sflag:s24] =	ssyncset.done $0x0  }
0xa6: {  	s25 =	simm.s32 $0x1B8E;
	[sflag:s24] =	ssyncadd.s32 $0xFFFFFFFF  }
0xa7: {  	s26 =	simm.s32 $execute0_lowered;
	[smem:$0x3FD2] =	sst s25  }
0xa8: {  	s6 =	sshll.u32 s26, $0x1;
	_ =	strace $0x80000046;
	[dreg:$0x1] =	wrdreg $0xFFFFFFFF  }
0xa9: {  	s28 =	simm.s32 $_size_execute0_lowered;
	s5 =	sadd.s32 s5, s6;
	[dreg:$0x0] =	wrdreg $0x0  }
0xaa: {  	s6 =	sshll.u32 s28, $0x1;
	[dreg:$0x2] =	wrdreg s5  }
0xab: {  	[dreg:$0x3] =	wrdreg s6  }
0xac: {  	[dreg:$0x4] =	wrdreg $0xC0  }
0xad: {  	_ =	task [dreg:s9], $0x5FFFF  }
0xae: {  	[dreg:$0x1] =	wrdreg $0xFFFFFFFF  }
0xaf: {  	[dreg:$0x0] =	wrdreg $0x60  }
0xb0: {  	[dreg:$0x2] =	wrdreg s2  }
0xb1: {  	[dreg:$0x3] =	wrdreg s19  }
0xb2: {  	[dreg:$0x4] =	wrdreg s4  }
0xb3: {  	[dreg:$0x5] =	wrdreg $0x9  }
0xb4: {  	_ =	task.clear_ibuf [dreg:s9], $0x6FFFF;
	_ =	strace $0x90000046  }
0xb5: {  	s29 =	simm.s32 $0x9;
	_ =	strace $0x80000048  }
0xb6: {  	_ =	swait.ge [sflag:s29], $0x1  }
0xb7: {  	[sflag:s29] =	ssyncadd.s32 $0xFFFFFFFF  }
0xb8: {  	_ =	strace $0x90000048  }
0xb9: {  	_ =	sfence  }
0xba: {  	s30 =	sld [smem:$0x0];
	_ =	sdelay $0x2  }
0xbb: {  	s31 =	sshll.u32 s1, $0xD;
	s1 =	sshrl.u32 s1, $0x2  }
0xbc: {  	s3 =	sand.u32 $0x4000, s31;
	s1 =	sadd.s32 s1, s30  }
0xbd: {  	s0 =	sor.u32 s3, s0;
	s1 =	sshll.u32 s1, $0x11  }
0xbe: {  	s0 =	sor.u32 s1, s0  }
0xbf: {  	s0 =	sadd.s32 $0x8F2B, s0  }
0xc0: {  	[sflag:s0] =	ssyncadd.remote.s32 $0x1  }
0xc1: {  	_ =	sfence.sel $0xFFFF  }
0xc2: {  	[dreg:$0x0] =	wrdreg $0xFFFFFFFF;
	(pc) =	sbr.abs _section_cstart, $3  }
0xc3: {  	[dreg:$0x1] =	wrdreg $0xFFFFFFFF  }
0xc4: {  	_ =	task.clear_ibuf [dreg:s9], $0x2FFFF;
	_ =	strace $0x9FFFFFFF  }
0xc5: {  	(tm) =	ssettm $0x7FFFFFFF  }
tec
execute0_lowered:
.L_overlay_start_1:
0x0: {  	(tag) =	ssettag $0x1  }
0x1: {  	s12 =	rddreg [dreg:$0x0]  }
0x2: {  	s13 =	rddreg [dreg:$0x1]  }
0x3: {  	s14 =	rddreg [dreg:$0x2]  }
0x4: {  	s0 =	rddreg [dreg:$0x3];
	s3 =	srdreg.scid  }
0x5: {  	s2 =	simm.s32 $0x0;
	s1 =	stileid.u32;
	s17 =	simm.s32 $0x400  }
0x6: {  	s18 =	simm.s32 $0x1;
	s19 =	simm.s32 $0x8000;
	s20 =	simm.s32 $0x10000  }
0x7: {  	s21 =	simm.s32 $0x0;
	s3 =	sand.u32 $0x1, s3;
	s5 =	sshll.u32 s1, $0xF  }
0x8: {  	[smem:$0x7FF] =	sst s2;
	s4 =	ssub.s32 $0x2, s3;
	s3 =	sshll.u32 s3, $0x6  }
0x9: {  	_ =	strace $0x80000047;
	s6 =	sshrl.u32 s4, $0x1;
	s10 =	sor.u32 s3, s5  }
0xa: {  	s15 =	ssub.s32 s4, s6;
	s3 =	sadd.s32 s12, s10;
	s4 =	sadd.s32 s13, s10  }
0xb: {  	s5 =	sadd.s32 s14, s10;
	s8 =	sor.u32 $0x10, s10;
	s11 =	sor.u32 $0x20, s10  }
0xc: {  	s16 =	sor.u32 $0x30, s10;
	s6 =	sadd.s32 s12, s8;
	s7 =	sadd.s32 s13, s8  }
0xd: {  	s8 =	sadd.s32 s14, s8;
	s9 =	sadd.s32 s12, s11;
	s10 =	sadd.s32 s13, s11  }
0xe: {  	s11 =	sadd.s32 s14, s11;
	s12 =	sadd.s32 s12, s16;
	s13 =	sadd.s32 s13, s16  }
0xf: {  	s14 =	sadd.s32 s14, s16;
	s15 =	smax.u32 s15, $0x1;
	s16 =	simm.s32 $0x80  }
.LBB2_1:
0x10: {  	[tilespmem:s2], [sflag:$0x1] =	stream.strided.gather [hbm4b:s3+s16], $0x8000, s17, s16, $0x38;
	[tilespmem:$0x18000] =	vst v63  }
0x11: {  	_ =	swait.ge [sflag:s18], $0x8000  }
0x12: {  	[sflag:s18] =	ssyncset.done $0x0  }
0x13: {  	[sflag:s18] =	ssyncadd.s32 $0xFFFF8000  }
0x14: {  	[tilespmem:s19], [sflag:$0x1] =	stream.strided.gather [hbm4b:s4+s16], $0x8000, s17, s16, $0x38;
	[tilespmem:$0x18000] =	vst v63  }
0x15: {  	_ =	swait.ge [sflag:s18], $0x8000  }
0x16: {  	[sflag:s18] =	ssyncset.done $0x0  }
0x17: {  	s22 =	simm.s32 $0x8040;
	[sflag:s18] =	ssyncadd.s32 $0xFFFF8000  }
0x18: {  	v0 =	vld [tilespmem:s22+$0x30]  }
0x19: {  	v1 =	vld [tilespmem:s22+$0xFFFFFFD0]  }
0x1a: {  	v2 =	vld [tilespmem:s22+$0xFFFFFFE0]  }
0x1b: {  	v3 =	vld [tilespmem:s22+$0xFFFFFFF0]  }
0x1c: {  	v4 =	vld [tilespmem:s22+$0x0]  }
0x1d: {  	v6 =	vld [tilespmem:s22+$0x10]  }
0x1e: {  	v7 =	vld [tilespmem:s22+$0x20]  }
0x1f: {  	v8 =	vld [tilespmem:s22+$0xFFFFFFC0]  }
0x20: {  	v9 =	vld.idx.msk [tilespmem:v0+s2+$0x0], $0xffff  }
0x21: {  	v10 =	vld.idx.msk [tilespmem:v1+s2+$0x0], $0xffff  }
0x22: {  	v5 =	vld.idx.msk [tilespmem:v2+s2+$0x0], $0xffff  }
0x23: {  	v3 =	vld.idx.msk [tilespmem:v3+s2+$0x0], $0xffff  }
0x24: {  	v0 =	vld.idx.msk [tilespmem:v4+s2+$0x0], $0xffff  }
0x25: {  	s22 =	simm.s32 $0x10040;
	v1 =	vld.idx.msk [tilespmem:v6+s2+$0x0], $0xffff  }
0x26: {  	v2 =	vld.idx.msk [tilespmem:v7+s2+$0x0], $0xffff;
	[tilespmem:s22+$0x30] =	vst v9  }
0x27: {  	s23 =	simm.s32 $0x0;
	s24 =	simm.s32 $0x80C0;
	v4 =	vld.idx.msk [tilespmem:v8+s2+$0x0], $0xffff;
	[tilespmem:s22+$0xFFFFFFD0] =	vst v10  }
.LBB2_2:
0x28: {  	v6 =	vld [tilespmem:s24+$0x30];
	s23 =	sadd.s32 $0x8, s23;
	[tilespmem:s22+$0xFFFFFFE0] =	vst v5  }
0x29: {  	v5 =	vld [tilespmem:s24+$0xFFFFFFD0];
	p0 =	slt.u32 s23, $0x7F8;
	[tilespmem:s22+$0xFFFFFFF0] =	vst v3  }
0x2a: {  	v3 =	vld [tilespmem:s24+$0xFFFFFFE0];
	[tilespmem:s22+$0x0] =	vst v0  }
0x2b: {  	v0 =	vld [tilespmem:s24+$0xFFFFFFF0];
	[tilespmem:s22+$0x10] =	vst v1  }
0x2c: {  	v1 =	vld [tilespmem:s24+$0x0];
	[tilespmem:s22+$0x20] =	vst v2  }
0x2d: {  	v2 =	vld [tilespmem:s24+$0x10];
	[tilespmem:s22+$0xFFFFFFC0] =	vst v4  }
0x2e: {  	v4 =	vld [tilespmem:s24+$0x20]  }
0x2f: {  	v7 =	vld [tilespmem:s24+$0xFFFFFFC0]  }
0x30: {  	v6 =	vld.idx.msk [tilespmem:v6+s2+$0x0], $0xffff  }
0x31: {  	v8 =	vld.idx.msk [tilespmem:v5+s2+$0x0], $0xffff  }
0x32: {  	v5 =	vld.idx.msk [tilespmem:v3+s2+$0x0], $0xffff  }
.Ltmp0:
0x33: {  	v3 =	vld.idx.msk [tilespmem:v0+s2+$0x0], $0xffff;
	(pc) =	sbr.rel @p0 .LBB2_2-.Ltmp0, $4  }
0x34: {  	v0 =	vld.idx.msk [tilespmem:v1+s2+$0x0], $0xffff  }
0x35: {  	s22 =	sadd.s32 $0x80, s22;
	v1 =	vld.idx.msk [tilespmem:v2+s2+$0x0], $0xffff  }
0x36: {  	v2 =	vld.idx.msk [tilespmem:v4+s2+$0x0], $0xffff;
	[tilespmem:s22+$0x30] =	vst v6  }
0x37: {  	s24 =	sadd.s32 $0x80, s24;
	v4 =	vld.idx.msk [tilespmem:v7+s2+$0x0], $0xffff;
	[tilespmem:s22+$0xFFFFFFD0] =	vst v8  }
0x38: {  	[tilespmem:s22+$0xFFFFFFE0] =	vst v5  }
0x39: {  	[tilespmem:s22+$0xFFFFFFF0] =	vst v3  }
0x3a: {  	[tilespmem:s22+$0x0] =	vst v0  }
0x3b: {  	[tilespmem:s22+$0x10] =	vst v1  }
0x3c: {  	[tilespmem:s22+$0x20] =	vst v2  }
0x3d: {  	[tilespmem:s22+$0xFFFFFFC0] =	vst v4  }
0x3e: {  	[hbm4b:s5+s16] =	stream.strided.scatter [tilespmem:s20], [sflag:$0x1], $0x8000, s17, s16, $0x38;
	[tilespmem:$0x18000] =	vst v63  }
0x3f: {  	_ =	swait.ge [sflag:s18], $0x8000  }
0x40: {  	[sflag:s18] =	ssyncset.done $0x0  }
0x41: {  	[sflag:s18] =	ssyncadd.s32 $0xFFFF8000  }
0x42: {  	[tilespmem:s2], [sflag:$0x1] =	stream.strided.gather [hbm4b:s6+s16], $0x8000, s17, s16, $0x38;
	[tilespmem:$0x18000] =	vst v63  }
0x43: {  	_ =	swait.ge [sflag:s18], $0x8000  }
0x44: {  	[sflag:s18] =	ssyncset.done $0x0  }
0x45: {  	[sflag:s18] =	ssyncadd.s32 $0xFFFF8000  }
0x46: {  	[tilespmem:s19], [sflag:$0x1] =	stream.strided.gather [hbm4b:s7+s16], $0x8000, s17, s16, $0x38;
	[tilespmem:$0x18000] =	vst v63  }
0x47: {  	_ =	swait.ge [sflag:s18], $0x8000  }
0x48: {  	[sflag:s18] =	ssyncset.done $0x0  }
0x49: {  	s31 =	simm.s32 $0x8040;
	[sflag:s18] =	ssyncadd.s32 $0xFFFF8000  }
0x4a: {  	v0 =	vld [tilespmem:s31+$0x30]  }
0x4b: {  	v1 =	vld [tilespmem:s31+$0xFFFFFFD0]  }
0x4c: {  	v2 =	vld [tilespmem:s31+$0xFFFFFFE0]  }
0x4d: {  	v3 =	vld [tilespmem:s31+$0xFFFFFFF0]  }
0x4e: {  	v4 =	vld [tilespmem:s31+$0x0]  }
0x4f: {  	v6 =	vld [tilespmem:s31+$0x10]  }
0x50: {  	v7 =	vld [tilespmem:s31+$0x20]  }
0x51: {  	v8 =	vld [tilespmem:s31+$0xFFFFFFC0]  }
0x52: {  	v9 =	vld.idx.msk [tilespmem:v0+s2+$0x0], $0xffff  }
0x53: {  	v10 =	vld.idx.msk [tilespmem:v1+s2+$0x0], $0xffff  }
0x54: {  	v5 =	vld.idx.msk [tilespmem:v2+s2+$0x0], $0xffff  }
0x55: {  	v3 =	vld.idx.msk [tilespmem:v3+s2+$0x0], $0xffff  }
0x56: {  	v0 =	vld.idx.msk [tilespmem:v4+s2+$0x0], $0xffff  }
0x57: {  	s22 =	simm.s32 $0x10040;
	v1 =	vld.idx.msk [tilespmem:v6+s2+$0x0], $0xffff  }
0x58: {  	v2 =	vld.idx.msk [tilespmem:v7+s2+$0x0], $0xffff;
	[tilespmem:s22+$0x30] =	vst v9  }
0x59: {  	s23 =	simm.s32 $0x0;
	s24 =	simm.s32 $0x80C0;
	v4 =	vld.idx.msk [tilespmem:v8+s2+$0x0], $0xffff;
	[tilespmem:s22+$0xFFFFFFD0] =	vst v10  }
.LBB2_4:
0x5a: {  	v6 =	vld [tilespmem:s24+$0x30];
	s23 =	sadd.s32 $0x8, s23;
	[tilespmem:s22+$0xFFFFFFE0] =	vst v5  }
0x5b: {  	v5 =	vld [tilespmem:s24+$0xFFFFFFD0];
	p0 =	slt.u32 s23, $0x7F8;
	[tilespmem:s22+$0xFFFFFFF0] =	vst v3  }
0x5c: {  	v3 =	vld [tilespmem:s24+$0xFFFFFFE0];
	[tilespmem:s22+$0x0] =	vst v0  }
0x5d: {  	v0 =	vld [tilespmem:s24+$0xFFFFFFF0];
	[tilespmem:s22+$0x10] =	vst v1  }
0x5e: {  	v1 =	vld [tilespmem:s24+$0x0];
	[tilespmem:s22+$0x20] =	vst v2  }
0x5f: {  	v2 =	vld [tilespmem:s24+$0x10];
	[tilespmem:s22+$0xFFFFFFC0] =	vst v4  }
0x60: {  	v4 =	vld [tilespmem:s24+$0x20]  }
0x61: {  	v7 =	vld [tilespmem:s24+$0xFFFFFFC0]  }
0x62: {  	v6 =	vld.idx.msk [tilespmem:v6+s2+$0x0], $0xffff  }
0x63: {  	v8 =	vld.idx.msk [tilespmem:v5+s2+$0x0], $0xffff  }
0x64: {  	v5 =	vld.idx.msk [tilespmem:v3+s2+$0x0], $0xffff  }
.Ltmp1:
0x65: {  	v3 =	vld.idx.msk [tilespmem:v0+s2+$0x0], $0xffff;
	(pc) =	sbr.rel @p0 .LBB2_4-.Ltmp1, $4  }
0x66: {  	v0 =	vld.idx.msk [tilespmem:v1+s2+$0x0], $0xffff  }
0x67: {  	s22 =	sadd.s32 $0x80, s22;
	v1 =	vld.idx.msk [tilespmem:v2+s2+$0x0], $0xffff  }
0x68: {  	v2 =	vld.idx.msk [tilespmem:v4+s2+$0x0], $0xffff;
	[tilespmem:s22+$0x30] =	vst v6  }
0x69: {  	s24 =	sadd.s32 $0x80, s24;
	v4 =	vld.idx.msk [tilespmem:v7+s2+$0x0], $0xffff;
	[tilespmem:s22+$0xFFFFFFD0] =	vst v8  }
0x6a: {  	[tilespmem:s22+$0xFFFFFFE0] =	vst v5  }
0x6b: {  	[tilespmem:s22+$0xFFFFFFF0] =	vst v3  }
0x6c: {  	[tilespmem:s22+$0x0] =	vst v0  }
0x6d: {  	[tilespmem:s22+$0x10] =	vst v1  }
0x6e: {  	[tilespmem:s22+$0x20] =	vst v2  }
0x6f: {  	[tilespmem:s22+$0xFFFFFFC0] =	vst v4  }
0x70: {  	[hbm4b:s8+s16] =	stream.strided.scatter [tilespmem:s20], [sflag:$0x1], $0x8000, s17, s16, $0x38;
	[tilespmem:$0x18000] =	vst v63  }
0x71: {  	_ =	swait.ge [sflag:s18], $0x8000  }
0x72: {  	[sflag:s18] =	ssyncset.done $0x0  }
0x73: {  	[sflag:s18] =	ssyncadd.s32 $0xFFFF8000  }
0x74: {  	[tilespmem:s2], [sflag:$0x1] =	stream.strided.gather [hbm4b:s9+s16], $0x8000, s17, s16, $0x38;
	[tilespmem:$0x18000] =	vst v63  }
0x75: {  	_ =	swait.ge [sflag:s18], $0x8000  }
0x76: {  	[sflag:s18] =	ssyncset.done $0x0  }
0x77: {  	[sflag:s18] =	ssyncadd.s32 $0xFFFF8000  }
0x78: {  	[tilespmem:s19], [sflag:$0x1] =	stream.strided.gather [hbm4b:s10+s16], $0x8000, s17, s16, $0x38;
	[tilespmem:$0x18000] =	vst v63  }
0x79: {  	_ =	swait.ge [sflag:s18], $0x8000  }
0x7a: {  	[sflag:s18] =	ssyncset.done $0x0  }
0x7b: {  	s31 =	simm.s32 $0x8040;
	[sflag:s18] =	ssyncadd.s32 $0xFFFF8000  }
0x7c: {  	v0 =	vld [tilespmem:s31+$0x30]  }
0x7d: {  	v1 =	vld [tilespmem:s31+$0xFFFFFFD0]  }
0x7e: {  	v2 =	vld [tilespmem:s31+$0xFFFFFFE0]  }
0x7f: {  	v3 =	vld [tilespmem:s31+$0xFFFFFFF0]  }
0x80: {  	v4 =	vld [tilespmem:s31+$0x0]  }
0x81: {  	v6 =	vld [tilespmem:s31+$0x10]  }
0x82: {  	v7 =	vld [tilespmem:s31+$0x20]  }
0x83: {  	v8 =	vld [tilespmem:s31+$0xFFFFFFC0]  }
0x84: {  	v9 =	vld.idx.msk [tilespmem:v0+s2+$0x0], $0xffff  }
0x85: {  	v10 =	vld.idx.msk [tilespmem:v1+s2+$0x0], $0xffff  }
0x86: {  	v5 =	vld.idx.msk [tilespmem:v2+s2+$0x0], $0xffff  }
0x87: {  	v3 =	vld.idx.msk [tilespmem:v3+s2+$0x0], $0xffff  }
0x88: {  	v0 =	vld.idx.msk [tilespmem:v4+s2+$0x0], $0xffff  }
0x89: {  	s22 =	simm.s32 $0x10040;
	v1 =	vld.idx.msk [tilespmem:v6+s2+$0x0], $0xffff  }
0x8a: {  	v2 =	vld.idx.msk [tilespmem:v7+s2+$0x0], $0xffff;
	[tilespmem:s22+$0x30] =	vst v9  }
0x8b: {  	s23 =	simm.s32 $0x0;
	s24 =	simm.s32 $0x80C0;
	v4 =	vld.idx.msk [tilespmem:v8+s2+$0x0], $0xffff;
	[tilespmem:s22+$0xFFFFFFD0] =	vst v10  }
.LBB2_6:
0x8c: {  	v6 =	vld [tilespmem:s24+$0x30];
	s23 =	sadd.s32 $0x8, s23;
	[tilespmem:s22+$0xFFFFFFE0] =	vst v5  }
0x8d: {  	v5 =	vld [tilespmem:s24+$0xFFFFFFD0];
	p0 =	slt.u32 s23, $0x7F8;
	[tilespmem:s22+$0xFFFFFFF0] =	vst v3  }
0x8e: {  	v3 =	vld [tilespmem:s24+$0xFFFFFFE0];
	[tilespmem:s22+$0x0] =	vst v0  }
0x8f: {  	v0 =	vld [tilespmem:s24+$0xFFFFFFF0];
	[tilespmem:s22+$0x10] =	vst v1  }
0x90: {  	v1 =	vld [tilespmem:s24+$0x0];
	[tilespmem:s22+$0x20] =	vst v2  }
0x91: {  	v2 =	vld [tilespmem:s24+$0x10];
	[tilespmem:s22+$0xFFFFFFC0] =	vst v4  }
0x92: {  	v4 =	vld [tilespmem:s24+$0x20]  }
0x93: {  	v7 =	vld [tilespmem:s24+$0xFFFFFFC0]  }
0x94: {  	v6 =	vld.idx.msk [tilespmem:v6+s2+$0x0], $0xffff  }
0x95: {  	v8 =	vld.idx.msk [tilespmem:v5+s2+$0x0], $0xffff  }
0x96: {  	v5 =	vld.idx.msk [tilespmem:v3+s2+$0x0], $0xffff  }
.Ltmp2:
0x97: {  	v3 =	vld.idx.msk [tilespmem:v0+s2+$0x0], $0xffff;
	(pc) =	sbr.rel @p0 .LBB2_6-.Ltmp2, $4  }
0x98: {  	v0 =	vld.idx.msk [tilespmem:v1+s2+$0x0], $0xffff  }
0x99: {  	s22 =	sadd.s32 $0x80, s22;
	v1 =	vld.idx.msk [tilespmem:v2+s2+$0x0], $0xffff  }
0x9a: {  	v2 =	vld.idx.msk [tilespmem:v4+s2+$0x0], $0xffff;
	[tilespmem:s22+$0x30] =	vst v6  }
0x9b: {  	s24 =	sadd.s32 $0x80, s24;
	v4 =	vld.idx.msk [tilespmem:v7+s2+$0x0], $0xffff;
	[tilespmem:s22+$0xFFFFFFD0] =	vst v8  }
0x9c: {  	[tilespmem:s22+$0xFFFFFFE0] =	vst v5  }
0x9d: {  	[tilespmem:s22+$0xFFFFFFF0] =	vst v3  }
0x9e: {  	[tilespmem:s22+$0x0] =	vst v0  }
0x9f: {  	[tilespmem:s22+$0x10] =	vst v1  }
0xa0: {  	[tilespmem:s22+$0x20] =	vst v2  }
0xa1: {  	[tilespmem:s22+$0xFFFFFFC0] =	vst v4  }
0xa2: {  	[hbm4b:s11+s16] =	stream.strided.scatter [tilespmem:s20], [sflag:$0x1], $0x8000, s17, s16, $0x38;
	[tilespmem:$0x18000] =	vst v63  }
0xa3: {  	_ =	swait.ge [sflag:s18], $0x8000  }
0xa4: {  	[sflag:s18] =	ssyncset.done $0x0  }
0xa5: {  	[sflag:s18] =	ssyncadd.s32 $0xFFFF8000  }
0xa6: {  	[tilespmem:s2], [sflag:$0x1] =	stream.strided.gather [hbm4b:s12+s16], $0x8000, s17, s16, $0x38;
	[tilespmem:$0x18000] =	vst v63  }
0xa7: {  	_ =	swait.ge [sflag:s18], $0x8000  }
0xa8: {  	[sflag:s18] =	ssyncset.done $0x0  }
0xa9: {  	[sflag:s18] =	ssyncadd.s32 $0xFFFF8000  }
0xaa: {  	[tilespmem:s19], [sflag:$0x1] =	stream.strided.gather [hbm4b:s13+s16], $0x8000, s17, s16, $0x38;
	[tilespmem:$0x18000] =	vst v63  }
0xab: {  	_ =	swait.ge [sflag:s18], $0x8000  }
0xac: {  	[sflag:s18] =	ssyncset.done $0x0  }
0xad: {  	s31 =	simm.s32 $0x8040;
	[sflag:s18] =	ssyncadd.s32 $0xFFFF8000  }
0xae: {  	v0 =	vld [tilespmem:s31+$0x30]  }
0xaf: {  	v1 =	vld [tilespmem:s31+$0xFFFFFFD0]  }
0xb0: {  	v2 =	vld [tilespmem:s31+$0xFFFFFFE0]  }
0xb1: {  	v3 =	vld [tilespmem:s31+$0xFFFFFFF0]  }
0xb2: {  	v4 =	vld [tilespmem:s31+$0x0]  }
0xb3: {  	v6 =	vld [tilespmem:s31+$0x10]  }
0xb4: {  	v7 =	vld [tilespmem:s31+$0x20]  }
0xb5: {  	v8 =	vld [tilespmem:s31+$0xFFFFFFC0]  }
0xb6: {  	v9 =	vld.idx.msk [tilespmem:v0+s2+$0x0], $0xffff  }
0xb7: {  	v10 =	vld.idx.msk [tilespmem:v1+s2+$0x0], $0xffff  }
0xb8: {  	v5 =	vld.idx.msk [tilespmem:v2+s2+$0x0], $0xffff  }
0xb9: {  	v3 =	vld.idx.msk [tilespmem:v3+s2+$0x0], $0xffff  }
0xba: {  	v0 =	vld.idx.msk [tilespmem:v4+s2+$0x0], $0xffff  }
0xbb: {  	s22 =	simm.s32 $0x10040;
	v1 =	vld.idx.msk [tilespmem:v6+s2+$0x0], $0xffff  }
0xbc: {  	v2 =	vld.idx.msk [tilespmem:v7+s2+$0x0], $0xffff;
	[tilespmem:s22+$0x30] =	vst v9  }
0xbd: {  	s23 =	simm.s32 $0x0;
	s24 =	simm.s32 $0x80C0;
	v4 =	vld.idx.msk [tilespmem:v8+s2+$0x0], $0xffff;
	[tilespmem:s22+$0xFFFFFFD0] =	vst v10  }
.LBB2_8:
0xbe: {  	v6 =	vld [tilespmem:s24+$0x30];
	s23 =	sadd.s32 $0x8, s23;
	[tilespmem:s22+$0xFFFFFFE0] =	vst v5  }
0xbf: {  	v5 =	vld [tilespmem:s24+$0xFFFFFFD0];
	p0 =	slt.u32 s23, $0x7F8;
	[tilespmem:s22+$0xFFFFFFF0] =	vst v3  }
0xc0: {  	v3 =	vld [tilespmem:s24+$0xFFFFFFE0];
	[tilespmem:s22+$0x0] =	vst v0  }
0xc1: {  	v0 =	vld [tilespmem:s24+$0xFFFFFFF0];
	[tilespmem:s22+$0x10] =	vst v1  }
0xc2: {  	v1 =	vld [tilespmem:s24+$0x0];
	[tilespmem:s22+$0x20] =	vst v2  }
0xc3: {  	v2 =	vld [tilespmem:s24+$0x10];
	[tilespmem:s22+$0xFFFFFFC0] =	vst v4  }
0xc4: {  	v4 =	vld [tilespmem:s24+$0x20]  }
0xc5: {  	v7 =	vld [tilespmem:s24+$0xFFFFFFC0]  }
0xc6: {  	v6 =	vld.idx.msk [tilespmem:v6+s2+$0x0], $0xffff  }
0xc7: {  	v8 =	vld.idx.msk [tilespmem:v5+s2+$0x0], $0xffff  }
0xc8: {  	v5 =	vld.idx.msk [tilespmem:v3+s2+$0x0], $0xffff  }
.Ltmp3:
0xc9: {  	v3 =	vld.idx.msk [tilespmem:v0+s2+$0x0], $0xffff;
	(pc) =	sbr.rel @p0 .LBB2_8-.Ltmp3, $4  }
0xca: {  	v0 =	vld.idx.msk [tilespmem:v1+s2+$0x0], $0xffff  }
0xcb: {  	s22 =	sadd.s32 $0x80, s22;
	v1 =	vld.idx.msk [tilespmem:v2+s2+$0x0], $0xffff  }
0xcc: {  	v2 =	vld.idx.msk [tilespmem:v4+s2+$0x0], $0xffff;
	[tilespmem:s22+$0x30] =	vst v6  }
0xcd: {  	s24 =	sadd.s32 $0x80, s24;
	v4 =	vld.idx.msk [tilespmem:v7+s2+$0x0], $0xffff;
	[tilespmem:s22+$0xFFFFFFD0] =	vst v8  }
0xce: {  	[tilespmem:s22+$0xFFFFFFE0] =	vst v5  }
0xcf: {  	[tilespmem:s22+$0xFFFFFFF0] =	vst v3  }
0xd0: {  	[tilespmem:s22+$0x0] =	vst v0  }
0xd1: {  	s21 =	sadd.s32 $0x1, s21;
	[tilespmem:s22+$0x10] =	vst v1  }
0xd2: {  	p0 =	sne.s32 s21, s15;
	[tilespmem:s22+$0x20] =	vst v2  }
.Ltmp4:
0xd3: {  	[tilespmem:s22+$0xFFFFFFC0] =	vst v4;
	(pc) =	sbr.rel @p0 .LBB2_1-.Ltmp4, $4  }
0xd4: {  	[hbm4b:s14+s16] =	stream.strided.scatter [tilespmem:s20], [sflag:$0x1], $0x8000, s17, s16, $0x38;
	[tilespmem:$0x18000] =	vst v63  }
0xd5: {  	_ =	swait.ge [sflag:s18], $0x8000  }
0xd6: {  	[sflag:s18] =	ssyncset.done $0x0  }
0xd7: {  	[sflag:s18] =	ssyncadd.s32 $0xFFFF8000  }
0xd8: {  	_ =	sfence.sel $0x180000  }
0xd9: {  	[bflag:$0x0] =	sbarrier.arrive $0xFFFF  }
0xda: {  	p0 =	sne.s32 s1, $0x0;
	_ =	strace $0x90000047  }
0xdb: {  	s0 =	sadd.s32 @!p0 $0x100000, s0;
	[bflag:$0x2] =	sbarrier.arrive $0xFFFF  }
0xdc: {  	[sflag:s0] =	ssyncadd.tile.s32 @!p0 $0x1;
	_ =	shalt  }
.Lfunc_end2:
_tile_overlayer_lowered:
.L_overlay_start_2:
0xdd: {  	(tag) =	ssettag $0x2  }
0xde: {  	s0 =	rddreg [dreg:$0x0];
	s2 =	stileid.u32  }
0xdf: {  	s1 =	rddreg [dreg:$0x1];
	p0 =	sne.s32 s2, $0x0  }
0xe0: {  	s3 =	rddreg [dreg:$0x2];
	[bflag:$0x3] =	sbarrier.arrive $0xFFFF;
	s2 =	simm.s32 @!p0 $0x1C01  }
0xe1: {  	[timem:s3], [sflag:s2] =	dma.local @!p0 [hbm:s0], s1  }
0xe2: {  	s0 =	simm.s32 @!p0 $0x1  }
0xe3: {  	_ =	swait.ge @!p0 [sflag:s0], s1  }
0xe4: {  	s1 =	ssub.s32 @!p0 $0x0, s1;
	[sflag:s0] =	ssyncset.done @!p0 $0x0  }
0xe5: {  	[sflag:s0] =	ssyncadd.s32 @!p0 s1  }
0xe6: {  	[bflag:$0x3] =	sbarrier.arrive $0xFFFF  }
0xe7: {  	_ =	shalt  }

</sc_bundles>
